<compile_context>
chip_gen: v7x
topology: tpu7x:2x2x1
jax: 0.10.2.dev20260603
libtpu: 0.0.44.dev20260713+nightly
codegen_flags: <defaults>
</compile_context>

<pallas_src>
import functools

import jax
import jax.numpy as jnp
from jax import lax
from jax.experimental import pallas as pl
from jax.experimental.pallas import tpu as pltpu
from jax.experimental.pallas import tpu_sc as plsc

ERA, H = 50000, 10000
E = 160000
HID = 128
DP = 144
PREAL = 129



def _ln(x, g, b, nreal):
    d = x.shape[-1]
    mu = jnp.sum(x, -1, keepdims=True) / nreal
    xc = x - mu
    if nreal != d:
        xc = xc * (lax.broadcasted_iota(jnp.int32, (1, d), 1) < nreal)
    var = jnp.sum(xc * xc, -1, keepdims=True) / nreal
    return xc * lax.rsqrt(var + 1e-5) * g + b


def _silu(x):
    return x * jax.nn.sigmoid(x)


def _mm(a, b):
    ah = a.astype(jnp.bfloat16)
    al = (a - ah.astype(jnp.float32)).astype(jnp.bfloat16)
    bh = b.astype(jnp.bfloat16)
    bl = (b - bh.astype(jnp.float32)).astype(jnp.bfloat16)

    def d(u, v):
        return jnp.dot(u, v, preferred_element_type=jnp.float32)

    return d(ah, bh) + (d(al, bh) + d(ah, bl))


def _rowmap(fn, row_args, full_args, out_dims, n, blk=1024):
    grid = (pl.cdiv(n, blk),)
    in_specs = (
        [pl.BlockSpec((blk, a.shape[1]), lambda i: (i, 0)) for a in row_args]
        + [pl.BlockSpec(a.shape, lambda i, nd=a.ndim: (0,) * nd)
           for a in full_args]
    )
    out_specs = [pl.BlockSpec((blk,), lambda i: (i,)) if d is None else
                 pl.BlockSpec((blk, d), lambda i: (i, 0)) for d in out_dims]
    out_shape = [jax.ShapeDtypeStruct((n,) if d is None else (n, d),
                                      jnp.float32) for d in out_dims]

    nr, nf = len(row_args), len(full_args)

    def kern(*refs):
        rows = [r[...] for r in refs[:nr]]
        fulls = [r[...] for r in refs[nr:nr + nf]]
        outs = fn(rows, fulls)
        for o_ref, o in zip(refs[nr + nf:], outs):
            o_ref[...] = o

    return pl.pallas_call(
        kern, grid=grid, in_specs=in_specs, out_specs=out_specs,
        out_shape=out_shape,
    )(*row_args, *full_args)


def _padw(w, rows, cols):
    return jnp.pad(w, ((0, rows - w.shape[0]), (0, cols - w.shape[1])))


def _padv(v, n):
    return jnp.pad(v, (0, n - v.shape[0]))


def _r1(v):
    return v.reshape(1, -1)




def kernel(x, era_latlons, h_latlons, era_trainable, h_trainable,
           e2h_trainable, h2e_trainable, h2h_trainable, e2h_edge_attr,
           h2h_edge_attr, h2e_edge_attr, e2h_edge_index, h2h_edge_index,
           h2e_edge_index, z, params):
    fm, pr, bm = params["fmap"], params["proc"], params["bmap"]

    bs, ens, m, n, f = x.shape
    x_flat = jnp.transpose(x, (0, 1, 3, 2, 4)).reshape(n, m * f)

    src_e2h, dst_e2h = e2h_edge_index[0], e2h_edge_index[1]
    src_h2h, dst_h2h = h2h_edge_index[0], h2h_edge_index[1]
    src_h2e, dst_h2e = h2e_edge_index[0], h2e_edge_index[1]

    def mlp_w(mdef):
        (W1, b1), (W2, b2) = mdef["layers"]
        g, be = mdef["ln"] if mdef["ln"] is not None else (None, None)
        return W1, b1, W2, b2, g, be

    fE = fm["blocks"][0]["edge"]
    (fW1, fb1), (fW2, fb2) = fE["layers"]
    fg, fbe = fE["ln"]
    fW1s, fW1d, fW1e = fW1[:HID], fW1[HID:2 * HID], fW1[2 * HID:]
    fN = fm["blocks"][0]["node"]
    (fV1, fc1), (fV2, fc2) = fN["layers"]
    fng, fnb = fN["ln"]
    fV1x, fV1a = fV1[:HID], fV1[HID:]

    def pad_block(blk):
        (W1, b1), (W2, b2) = blk["edge"]["layers"]
        g, be = blk["edge"]["ln"]
        W1s = _padw(W1[:PREAL], DP, DP)
        W1d = _padw(W1[PREAL:2 * PREAL], DP, DP)
        W1e = _padw(W1[2 * PREAL:], DP, DP)
        eb1, eW2 = _padv(b1, DP), _padw(W2, DP, DP)
        eb2, eg, ebe = _padv(b2, DP), _padv(g, DP), _padv(be, DP)
        (V1, c1), (V2, c2) = blk["node"]["layers"]
        ng, nb = blk["node"]["ln"]
        V1x = _padw(V1[:PREAL], DP, DP)
        V1a = _padw(V1[PREAL:], DP, DP)
        nc1, nV2 = _padv(c1, DP), _padw(V2, DP, DP)
        nc2, nng, nnb = _padv(c2, DP), _padv(ng, DP), _padv(nb, DP)
        return (W1s, W1d, W1e, eb1, eW2, eb2, eg, ebe,
                V1x, V1a, nc1, nV2, nc2, nng, nnb)

    p1 = pad_block(pr["blocks"][0])
    p2 = pad_block(pr["blocks"][1])

    bE = bm["blocks"][0]["edge"]
    (bW1, bb1), (bW2, bb2) = bE["layers"]
    bg, bbe = bE["ln"]
    bW1s, bW1d, bW1e = bW1[:HID], bW1[HID:2 * HID], bW1[2 * HID:]
    bN = bm["blocks"][0]["node"]
    (bV1, bc1), (bV2, bc2) = bN["layers"]
    bng, bnb = bN["ln"]
    bV1x, bV1a = bV1[:HID], bV1[HID:]

    sW1, sb1, sW2, sb2, sg, sbe = mlp_w(fm["src_emb"])
    sW1a, sW1b, sW1c = sW1[:m * f], sW1[m * f:m * f + 4], sW1[m * f + 4:]

    def f_src(rows, fulls):
        xf, ll, tr = rows
        W1a, W1b, W1c, b1, W2, b2, g, be, P = fulls
        h = _silu(_mm(xf, W1a) + _mm(ll, W1b) + _mm(tr, W1c) + b1)
        xs = _ln(_mm(h, W2) + b2, g, be, HID)
        return [xs, _mm(xs, P)]

    xs, ps_f = _rowmap(
        f_src, [x_flat, era_latlons, era_trainable],
        [sW1a, sW1b, sW1c, _r1(sb1), sW2, _r1(sb2), _r1(sg), _r1(sbe), fW1s],
        [HID, HID], ERA)

    dW1, db1, dW2, db2, dg, dbe = mlp_w(fm["dst_emb"])
    dW1a, dW1b = dW1[:4], dW1[4:]

    def f_dst(rows, fulls):
        ll, tr = rows
        W1a, W1b, b1, W2, b2, g, be, P = fulls
        h = _silu(_mm(ll, W1a) + _mm(tr, W1b) + b1)
        xd = _ln(_mm(h, W2) + b2, g, be, HID)
        return [xd, _mm(xd, P)]

    xd, pd_f = _rowmap(
        f_dst, [h_latlons, h_trainable],
        [dW1a, dW1b, _r1(db1), dW2, _r1(db2), _r1(dg), _r1(dbe), fW1d],
        [HID, HID], H)

    def f_edge_emb(rows, fulls):
        at, tr = rows
        A1a, A1b, a1, A2, a2, g, be, P, pb = fulls
        h = _silu(_mm(at, A1a) + _mm(tr, A1b) + a1)
        ee = _ln(_mm(h, A2) + a2, g, be, HID)
        return [_mm(ee, P) + pb]

    eW1, ea1, eW2, ea2, eg, ebe = mlp_w(fm["edge_emb"])
    (pe_f,) = _rowmap(
        f_edge_emb, [e2h_edge_attr, e2h_trainable],
        [eW1[:3], eW1[3:], _r1(ea1), eW2, _r1(ea2), _r1(eg), _r1(ebe),
         fW1e, _r1(fb1)],
        [HID], E)

    g1, g2 = _gather2(ps_f, pd_f, src_e2h, dst_e2h, HID, stage_b=True)

    def f_msg(rows, fulls):
        a, b, c = rows
        W2, b2, g, be = fulls
        h = _silu(a + b + c)
        return [_ln(_mm(h, W2) + b2, g, be, HID)]

    (msg_f,) = _rowmap(
        f_msg, [g1, g2, pe_f],
        [fW2, _r1(fb2), _r1(fg), _r1(fbe)], [HID], E)

    part_f = _segsum(msg_f, dst_e2h, H, HID)

    z8 = jnp.tile(z, (1, 8))

    def f_node(rows, fulls):
        xd_, a0, a1_, z_ = rows
        V1x, V1a, c1, V2, c2, g, be = fulls
        agg = a0 + a1_
        h = _silu(_mm(xd_, V1x) + _mm(agg, V1a) + c1)
        xd1 = xd_ + _ln(_mm(h, V2) + c2, g, be, HID)
        xp = jnp.concatenate(
            [xd1, z_[:, :1], jnp.zeros((xd1.shape[0], DP - PREAL),
                                       jnp.float32)], axis=1)
        return [xd1, xp]

    xd1, xp = _rowmap(
        f_node, [xd, part_f[0], part_f[1], z8],
        [fV1x, fV1a, _r1(fc1), fV2, _r1(fc2), _r1(fng), _r1(fnb)],
        [HID, DP], H)

    zs, zd = _zgather(z[:, 0], src_h2h, dst_h2h)
    zs8 = jnp.tile(zs[:, None], (1, 8))
    zd8 = jnp.tile(zd[:, None], (1, 8))

    pW1, pa1, pW2, pa2, pg, pbe = mlp_w(pr["edge_emb"])
    pW1 = _padw(pW1, 11, DP)
    pa1, pa2 = _padv(pa1, DP), _padv(pa2, DP)
    pW2 = _padw(pW2, DP, DP)
    pg, pbe = _padv(pg, DP), _padv(pbe, DP)

    def f_pedge_emb(rows, fulls):
        at, tr, zs_, zd_ = rows
        A1a, A1b, a1, A2, a2, g, be, P, pb, rs, rd = fulls
        h = _silu(_mm(at, A1a) + _mm(tr, A1b) + a1)
        ep = _ln(_mm(h, A2) + a2, g, be, PREAL)
        pez = _mm(ep, P) + pb + zs_[:, :1] * rs + zd_[:, :1] * rd
        return [ep, pez]

    ep0, pez1 = _rowmap(
        f_pedge_emb, [h2h_edge_attr, h2h_trainable, zs8, zd8],
        [pW1[:3], pW1[3:], _r1(pa1), pW2, _r1(pa2), _r1(pg), _r1(pbe),
         p1[2], _r1(p1[3]), p1[0][PREAL - 1:PREAL], p1[1][PREAL - 1:PREAL]],
        [DP, DP], E)

    g1, g2 = _gather2(xd1, xd1, src_h2h, dst_h2h, HID,
                      stage_a=True, stage_b=True, same=True)

    def f_pmsg1(rows, fulls):
        a, b, c, ep = rows
        Ws, Wd, W2, b2, g, be, Q, qb = fulls
        h = _silu(_mm(a, Ws) + _mm(b, Wd) + c)
        msg = _ln(_mm(h, W2) + b2, g, be, PREAL)
        pe2b = _mm(ep + msg, Q) + qb
        return [msg[:, :HID], msg[:, HID], pe2b]

    m128_p1, ml_p1, pe2b = _rowmap(
        f_pmsg1, [g1, g2, pez1, ep0],
        [p1[0][:HID], p1[1][:HID], p1[4], _r1(p1[5]), _r1(p1[6]),
         _r1(p1[7]), p2[2], _r1(p2[3])],
        [HID, None, DP], E)

    part_p1 = _segsum(m128_p1, dst_h2h, H, HID)
    aggl_p1 = jnp.tile(
        _segsum_scalar(ml_p1, dst_h2h).reshape(NW, H).sum(0)[:, None],
        (1, 8))

    def f_pnode1(rows, fulls):
        xp_, a0, a1_, al = rows
        V1x, V1a, val, c1, V2, c2, g, be = fulls
        h = _silu(_mm(xp_, V1x) + _mm(a0 + a1_, V1a)
                  + al[:, :1] * val + c1)
        xp1 = xp_ + _ln(_mm(h, V2) + c2, g, be, PREAL)
        return [xp1, xp1[:, :HID]]

    xp1, u2 = _rowmap(
        f_pnode1, [xp, part_p1[0], part_p1[1], aggl_p1],
        [p1[8], p1[9][:HID], p1[9][PREAL - 1:PREAL], _r1(p1[10]),
         p1[11], _r1(p1[12]), _r1(p1[13]), _r1(p1[14])],
        [DP, HID], H)

    g1, g2 = _gather2(u2, u2, src_h2h, dst_h2h, HID,
                      stage_a=True, stage_b=True, same=True)
    zs2, zd2 = _zgather(xp1[:, PREAL - 1], src_h2h, dst_h2h)
    zs2_8 = jnp.tile(zs2[:, None], (1, 8))
    zd2_8 = jnp.tile(zd2[:, None], (1, 8))

    def f_pmsg2(rows, fulls):
        a, b, c, zs_, zd_ = rows
        Ws, Wd, W2, b2, g, be, rs2, rd2 = fulls
        h = _silu(_mm(a, Ws) + _mm(b, Wd) + c
                  + zs_[:, :1] * rs2 + zd_[:, :1] * rd2)
        msg = _ln(_mm(h, W2) + b2, g, be, PREAL)
        return [msg[:, :HID], msg[:, HID]]

    m128_p2, ml_p2 = _rowmap(
        f_pmsg2, [g1, g2, pe2b, zs2_8, zd2_8],
        [p2[0][:HID], p2[1][:HID], p2[4], _r1(p2[5]), _r1(p2[6]),
         _r1(p2[7]), p2[0][PREAL - 1:PREAL], p2[1][PREAL - 1:PREAL]],
        [HID, None], E)

    part_p2 = _segsum(m128_p2, dst_h2h, H, HID)
    aggl_p2 = jnp.tile(
        _segsum_scalar(ml_p2, dst_h2h).reshape(NW, H).sum(0)[:, None],
        (1, 8))

    s2W1, s2b1, s2W2, s2b2, s2g, s2be = mlp_w(bm["src_emb"])

    def f_pnode2(rows, fulls):
        xp_, a0, a1_, al, xd1_ = rows
        (V1x, V1a, val, c1, V2, c2, g, be,
         S1, s1, S2, s2, gS, bS, P) = fulls
        h = _silu(_mm(xp_, V1x) + _mm(a0 + a1_, V1a)
                  + al[:, :1] * val + c1)
        xp2 = xp_ + _ln(_mm(h, V2) + c2, g, be, PREAL)
        xlp = xp2[:, :HID] + xd1_
        h2 = _silu(_mm(xlp, S1) + s1)
        xs2 = _ln(_mm(h2, S2) + s2, gS, bS, HID)
        return [_mm(xs2, P)]

    (ps_b,) = _rowmap(
        f_pnode2, [xp1, part_p2[0], part_p2[1], aggl_p2, xd1],
        [p2[8], p2[9][:HID], p2[9][PREAL - 1:PREAL], _r1(p2[10]),
         p2[11], _r1(p2[12]), _r1(p2[13]), _r1(p2[14]),
         s2W1, _r1(s2b1), s2W2, _r1(s2b2), _r1(s2g),
         _r1(s2be), bW1s],
        [HID], H)

    d2W1, d2b1, d2W2, d2b2, d2g, d2be = mlp_w(bm["dst_emb"])

    def f_ddst(rows, fulls):
        xs_, = rows
        W1, b1, W2, b2, g, be, P = fulls
        h = _silu(_mm(xs_, W1) + b1)
        xd2 = _ln(_mm(h, W2) + b2, g, be, HID)
        return [xd2, _mm(xd2, P)]

    xd2, pd_b = _rowmap(
        f_ddst, [xs],
        [d2W1, _r1(d2b1), d2W2, _r1(d2b2), _r1(d2g), _r1(d2be), bW1d],
        [HID, HID], ERA)

    e3W1, e3a1, e3W2, e3a2, e3g, e3be = mlp_w(bm["edge_emb"])
    (pe_b,) = _rowmap(
        f_edge_emb, [h2e_edge_attr, h2e_trainable],
        [e3W1[:3], e3W1[3:], _r1(e3a1), e3W2, _r1(e3a2), _r1(e3g),
         _r1(e3be), bW1e, _r1(bb1)],
        [HID], E)

    g1, g2 = _gather2(ps_b, pd_b, src_h2e, dst_h2e, HID, stage_a=True)
    (msg_b,) = _rowmap(
        f_msg, [g1, g2, pe_b],
        [bW2, _r1(bb2), _r1(bg), _r1(bbe)], [HID], E)

    part_b = _segsum_era(msg_b, dst_h2e)

    (oW1, ou1), (oW2, ou2) = bm["out"]["layers"]

    def f_final(rows, fulls):
        xd2_, a0, a1_ = rows
        V1x, V1a, c1, V2, c2, g, be, U1, u1, U2, u2 = fulls
        agg = a0 + a1_
        h = _silu(_mm(xd2_, V1x) + _mm(agg, V1a) + c1)
        xdn = xd2_ + _ln(_mm(h, V2) + c2, g, be, HID)
        o = _mm(_silu(_mm(xdn, U1) + u1), U2) + u2
        return [o]

    (out,) = _rowmap(
        f_final, [xd2, part_b[0], part_b[1]],
        [bV1x, bV1a, _r1(bc1), bV2, _r1(bc2), _r1(bng), _r1(bnb),
         oW1, _r1(ou1), oW2, _r1(ou2)],
        [80], ERA)

    return out.reshape(bs, ens, n, 80)


NC, NS, LANES = 2, 16, 16
NW = NC * NS
C = 160
NCH = E // C
KMAX = -(-NCH // NW)
@functools.cache
def _mesh():
    return plsc.VectorSubcoreMesh(core_axis_name="c", subcore_axis_name="s",
                                  num_cores=NC, num_subcores=NS)


def _wid():
    return lax.axis_index("s") * NC + lax.axis_index("c")


@functools.partial(jax.jit, static_argnames=("d", "stage_a", "stage_b",
                                              "same"))
def _gather2(ps, pd, src, dst, d, stage_a=False, stage_b=False, same=False):
    na, nb_ = ps.shape[0], pd.shape[0]
    scratch = [pltpu.VMEM((C,), jnp.int32),
               pltpu.VMEM((C,), jnp.int32),
               pltpu.VMEM((C, d), jnp.float32),
               pltpu.VMEM((C, d), jnp.float32),
               pltpu.SemaphoreType.DMA,
               pltpu.SemaphoreType.DMA]
    if stage_a:
        scratch.append(pltpu.VMEM_SHARED((na, d), jnp.float32))
    if stage_b and not same:
        scratch.append(pltpu.VMEM_SHARED((nb_, d), jnp.float32))

    @functools.partial(
        pl.kernel,
        out_type=[jax.ShapeDtypeStruct((E, d), jnp.float32),
                  jax.ShapeDtypeStruct((E, d), jnp.float32)],
        mesh=_mesh(),
        scratch_types=scratch,
    )
    def k(ps_h, pd_h, src_h, dst_h, g1_h, g2_h, si_v, di_v, ba, bb, s1, s2,
          *shs):
        w = _wid()
        sid = lax.axis_index("s")
        tab_a = shs[0] if stage_a else ps_h
        if same:
            tab_b = tab_a if stage_b else pd_h
        else:
            tab_b = shs[-1] if stage_b else pd_h

        def stage(tab_h, sh, nrows):
            nst = nrows // RC

            def srow(kk, carry):
                ch = kk * NS + sid

                @pl.when(ch < nst)
                def _():
                    pltpu.sync_copy(tab_h.at[pl.ds(ch * RC, RC)],
                                    sh.at[pl.ds(ch * RC, RC)])

                return carry

            lax.fori_loop(0, -(-nst // NS), srow, 0)

        if stage_a:
            stage(ps_h, shs[0], na)
        if stage_b and not same:
            stage(pd_h, shs[-1], nb_)
        if stage_a or stage_b:
            plsc.subcore_barrier()

        def body(kk, carry):
            c = kk * NW + w

            @pl.when(c < NCH)
            def _():
                base = c * C
                pltpu.sync_copy(src_h.at[pl.ds(base, C)], si_v)
                pltpu.sync_copy(dst_h.at[pl.ds(base, C)], di_v)
                cp1 = pltpu.async_copy(tab_a.at[si_v], ba, s1)
                cp2 = pltpu.async_copy(tab_b.at[di_v], bb, s2)
                cp1.wait()
                cp2.wait()
                pltpu.sync_copy(ba, g1_h.at[pl.ds(base, C)])
                pltpu.sync_copy(bb, g2_h.at[pl.ds(base, C)])

            return carry

        lax.fori_loop(0, KMAX, body, 0)

    return k(ps, pd, src, dst)


def _zero_vmem(buf, rows, d):
    def zb(t, carry):
        i = t // (d // LANES)
        j = t % (d // LANES)
        buf[i, pl.ds(j * LANES, LANES)] = jnp.zeros((LANES,), jnp.float32)
        return carry
    lax.fori_loop(0, rows * (d // LANES), zb, 0)


RC = 200


@functools.partial(jax.jit, static_argnames=("nseg", "d"))
def _segsum(msg, dst, nseg, d):
    nch_r = nseg // RC
    kr = -(-nch_r // NS)

    @functools.partial(
        pl.kernel,
        out_type=jax.ShapeDtypeStruct((NC * nseg, d), jnp.float32),
        mesh=_mesh(),
        scratch_types=[pltpu.VMEM((C,), jnp.int32),
                       pltpu.VMEM((C, d), jnp.float32),
                       pltpu.VMEM((RC, d), jnp.float32),
                       pltpu.VMEM_SHARED((nseg, d), jnp.float32)],
    )
    def k(msg_h, dst_h, out_h, di_v, mb, rb, acc):
        w = _wid()
        cid = lax.axis_index("c")
        sid = lax.axis_index("s")

        _zero_vmem(rb, RC, d)

        def zrow(kk, carry):
            ch = kk * NS + sid

            @pl.when(ch < nch_r)
            def _():
                pltpu.sync_copy(rb, acc.at[pl.ds(ch * RC, RC)])

            return carry

        lax.fori_loop(0, kr, zrow, 0)
        plsc.subcore_barrier()

        def body(kk, carry):
            c = kk * NW + w

            @pl.when(c < NCH)
            def _():
                base = c * C
                pltpu.sync_copy(msg_h.at[pl.ds(base, C)], mb)
                pltpu.sync_copy(dst_h.at[pl.ds(base, C)], di_v)
                pltpu.sync_copy(mb, acc.at[di_v], add=True)

            return carry

        lax.fori_loop(0, KMAX, body, 0)
        plsc.subcore_barrier()

        def orow(kk, carry):
            ch = kk * NS + sid

            @pl.when(ch < nch_r)
            def _():
                pltpu.sync_copy(acc.at[pl.ds(ch * RC, RC)], rb)
                pltpu.sync_copy(rb, out_h.at[pl.ds(cid * nseg + ch * RC, RC)])

            return carry

        lax.fori_loop(0, kr, orow, 0)

    return k(msg, dst).reshape(NC, nseg, d)


@jax.jit
def _zgather(zv, src, dst):

    @functools.partial(
        pl.kernel,
        out_type=[jax.ShapeDtypeStruct((E,), jnp.float32),
                  jax.ShapeDtypeStruct((E,), jnp.float32)],
        mesh=_mesh(),
        scratch_types=[pltpu.VMEM((H,), jnp.float32),
                       pltpu.VMEM((C,), jnp.int32),
                       pltpu.VMEM((C,), jnp.int32),
                       pltpu.VMEM((C,), jnp.float32),
                       pltpu.VMEM((C,), jnp.float32)],
        compiler_params=pltpu.CompilerParams(needs_layout_passes=False),
    )
    def k(z_h, src_h, dst_h, zs_h, zd_h, ztab, si_v, di_v, ob1, ob2):
        w = _wid()
        pltpu.sync_copy(z_h, ztab)

        def body(kk, carry):
            c = kk * NW + w

            @pl.when(c < NCH)
            def _():
                base = c * C
                pltpu.sync_copy(src_h.at[pl.ds(base, C)], si_v)
                pltpu.sync_copy(dst_h.at[pl.ds(base, C)], di_v)

                def g(j, cy):
                    sl = pl.ds(j * LANES, LANES)
                    ob1[sl] = plsc.load_gather(ztab, [si_v[sl]])
                    ob2[sl] = plsc.load_gather(ztab, [di_v[sl]])
                    return cy

                lax.fori_loop(0, C // LANES, g, 0)
                pltpu.sync_copy(ob1, zs_h.at[pl.ds(base, C)])
                pltpu.sync_copy(ob2, zd_h.at[pl.ds(base, C)])

            return carry

        lax.fori_loop(0, KMAX, body, 0)

    return k(zv, src, dst)


@jax.jit
def _segsum_scalar(vals, dst):

    @functools.partial(
        pl.kernel,
        out_type=jax.ShapeDtypeStruct((NW * H,), jnp.float32),
        mesh=_mesh(),
        scratch_types=[pltpu.VMEM((H,), jnp.float32),
                       pltpu.VMEM((C,), jnp.int32),
                       pltpu.VMEM((C,), jnp.float32)],
        compiler_params=pltpu.CompilerParams(needs_layout_passes=False),
    )
    def k(v_h, dst_h, out_h, pacc, di_v, vb):
        w = _wid()

        def zb(t, carry):
            pacc[pl.ds(t * LANES, LANES)] = jnp.zeros((LANES,), jnp.float32)
            return carry

        lax.fori_loop(0, H // LANES, zb, 0)

        def body(kk, carry):
            c = kk * NW + w

            @pl.when(c < NCH)
            def _():
                base = c * C
                pltpu.sync_copy(v_h.at[pl.ds(base, C)], vb)
                pltpu.sync_copy(dst_h.at[pl.ds(base, C)], di_v)

                def g(j, cy):
                    sl = pl.ds(j * LANES, LANES)
                    plsc.addupdate_scatter(pacc, [di_v[sl]], vb[sl])
                    return cy

                lax.fori_loop(0, C // LANES, g, 0)

            return carry

        lax.fori_loop(0, KMAX, body, 0)
        pltpu.sync_copy(pacc, out_h.at[pl.ds(w * H, H)])

    return k(vals, dst)


WERA = 9000
GARB = 512
AROW = 9600
NWIN = -(-ERA // WERA)


@jax.jit
def _segsum_era(msg, dst):
    d = HID
    nch_r = AROW // RC

    @functools.partial(
        pl.kernel,
        out_type=jax.ShapeDtypeStruct((NC * ERA, d), jnp.float32),
        mesh=_mesh(),
        scratch_types=[pltpu.VMEM((C,), jnp.int32),
                       pltpu.VMEM((C,), jnp.int32),
                       pltpu.VMEM((C, d), jnp.float32),
                       pltpu.VMEM((RC, d), jnp.float32),
                       pltpu.VMEM_SHARED((AROW, d), jnp.float32)],
    )
    def k(msg_h, dst_h, out_h, di_v, di2_v, mb, ob, acc):
        w = _wid()
        cid = lax.axis_index("c")
        sid = lax.axis_index("s")
        lane = lax.iota(jnp.int32, LANES)
        nch_z = AROW // C

        for win in range(NWIN):
            wbase = win * WERA
            nch_o = min(WERA, ERA - wbase) // RC

            _zero_vmem(mb, C, d)

            def zrow(kk, carry):
                ch = kk * NS + sid

                @pl.when(ch < nch_z)
                def _():
                    pltpu.sync_copy(mb, acc.at[pl.ds(ch * C, C)])

                return carry

            lax.fori_loop(0, -(-nch_z // NS), zrow, 0)
            plsc.subcore_barrier()

            def body(kk, carry):
                c = kk * NW + w

                @pl.when(c < NCH)
                def _():
                    base = c * C
                    pltpu.sync_copy(msg_h.at[pl.ds(base, C)], mb)
                    pltpu.sync_copy(dst_h.at[pl.ds(base, C)], di_v)

                    def tr(j, cy):
                        dv = di_v[pl.ds(j * LANES, LANES)]
                        inw = (dv >= wbase) & (dv < wbase + WERA)
                        garb = WERA + ((c + j * LANES + lane) &
                                       jnp.int32(GARB - 1))
                        di2_v[pl.ds(j * LANES, LANES)] = jnp.where(
                            inw, dv - wbase, garb)
                        return cy

                    lax.fori_loop(0, C // LANES, tr, 0)
                    pltpu.sync_copy(mb, acc.at[di2_v], add=True)

                return carry

            lax.fori_loop(0, KMAX, body, 0)
            plsc.subcore_barrier()

            def orow(kk, carry):
                ch = kk * NS + sid

                @pl.when(ch < nch_o)
                def _():
                    pltpu.sync_copy(acc.at[pl.ds(ch * RC, RC)], ob)
                    pltpu.sync_copy(
                        ob,
                        out_h.at[pl.ds(cid * ERA + wbase + ch * RC, RC)])

                return carry

            lax.fori_loop(0, -(-nch_o // NS), orow, 0)
            plsc.subcore_barrier()

    return k(msg, dst).reshape(NC, ERA, d)

# --- scband reference (transcript-rebuilt; emitter-appended) ---
"""Pipeline reference for scband-graph-msg-25503515803964 (READ-ONLY COPY).

The authoritative reference and input builder live on the scoring server;
editing this copy changes nothing except your own understanding.
"""

import jax, jax.numpy as jnp
import numpy as np

ERA, H = 50000, 10000
E2H, H2H, H2E = 160000, 160000, 160000
MS, INF, AUXF = 2, 80, 3
F = INF + AUXF
HID = 128
TR = 8
EDIM = 3 + TR


def _mlp(key, dims, ln=True):
    ks = jax.random.split(key, len(dims))
    layers = []
    for i in range(len(dims) - 1):
        W = jax.random.normal(ks[i], (dims[i], dims[i + 1]), jnp.float32) / np.sqrt(dims[i])
        b = jnp.zeros((dims[i + 1],), jnp.float32)
        layers.append((W, b))
    lnp = (jnp.ones((dims[-1],), jnp.float32), jnp.zeros((dims[-1],), jnp.float32)) if ln else None
    return {"layers": layers, "ln": lnp}


def _apply(m, x):
    L = m["layers"]
    for i, (W, b) in enumerate(L):
        x = x @ W + b
        if i < len(L) - 1:
            x = jax.nn.silu(x)
    if m["ln"] is not None:
        g, be = m["ln"]
        mu = x.mean(-1, keepdims=True)
        v = ((x - mu) ** 2).mean(-1, keepdims=True)
        x = (x - mu) / jnp.sqrt(v + 1e-5) * g + be
    return x


def _block(key, dim):
    k1, k2 = jax.random.split(key)
    return {"edge": _mlp(k1, (3 * dim, dim, dim)), "node": _mlp(k2, (2 * dim, dim, dim))}


def _forward(x, era_latlons, h_latlons, era_trainable, h_trainable, e2h_trainable, h2e_trainable, h2h_trainable, e2h_edge_attr, h2h_edge_attr, h2e_edge_attr, z, params, e2h_edge_index, h2h_edge_index, h2e_edge_index):
    bs, ens, m, n, f = x.shape
    bse = bs * ens
    x_flat = jnp.transpose(x, (0, 1, 3, 2, 4)).reshape(bse * n, m * f)
    x_era = jnp.concatenate([x_flat, jnp.tile(era_latlons, (bse, 1)), jnp.tile(era_trainable, (bse, 1))], -1)
    x_h = jnp.concatenate([jnp.tile(h_latlons, (bse, 1)), jnp.tile(h_trainable, (bse, 1))], -1)
    e2h_a = jnp.concatenate([jnp.tile(e2h_edge_attr, (bse, 1)), jnp.tile(e2h_trainable, (bse, 1))], -1)
    h2h_a = jnp.concatenate([jnp.tile(h2h_edge_attr, (bse, 1)), jnp.tile(h2h_trainable, (bse, 1))], -1)
    h2e_a = jnp.concatenate([jnp.tile(h2e_edge_attr, (bse, 1)), jnp.tile(h2e_trainable, (bse, 1))], -1)
    inc_e2h = jnp.array([[ERA], [H]], e2h_edge_index.dtype)
    inc_h2h = jnp.array([[H], [H]], h2h_edge_index.dtype)
    inc_h2e = jnp.array([[H], [ERA]], h2e_edge_index.dtype)
    ei_e2h = jnp.concatenate([e2h_edge_index + i * inc_e2h for i in range(bse)], 1)
    ei_h2h = jnp.concatenate([h2h_edge_index + i * inc_h2h for i in range(bse)], 1)
    ei_h2e = jnp.concatenate([h2e_edge_index + i * inc_h2e for i in range(bse)], 1)
    fm = params["fmap"]
    xs = _apply(fm["src_emb"], x_era)
    xd = _apply(fm["dst_emb"], x_h)
    ee = _apply(fm["edge_emb"], e2h_a)
    for blk in fm["blocks"]:
        msg = _apply(blk["edge"], jnp.concatenate([xs[ei_e2h[0]], xd[ei_e2h[1]], ee], -1))
        ee = ee + msg
        agg = jax.ops.segment_sum(msg, ei_e2h[1], num_segments=bse * H)
        xd = xd + _apply(blk["node"], jnp.concatenate([xd, agg], -1))
    x_era_latent = xs
    x_latent = xd
    pr = params["proc"]
    xp = jnp.concatenate([x_latent, jnp.tile(z, (bse, 1))], -1)
    ep = _apply(pr["edge_emb"], h2h_a)
    for blk in pr["blocks"]:
        msg = _apply(blk["edge"], jnp.concatenate([xp[ei_h2h[0]], xp[ei_h2h[1]], ep], -1))
        ep = ep + msg
        agg = jax.ops.segment_sum(msg, ei_h2h[1], num_segments=bse * H)
        xp = xp + _apply(blk["node"], jnp.concatenate([xp, agg], -1))
    x_latent_proc = xp[..., :-1] + x_latent
    bm = params["bmap"]
    xs2 = _apply(bm["src_emb"], x_latent_proc)
    xd2 = _apply(bm["dst_emb"], x_era_latent)
    ee2 = _apply(bm["edge_emb"], h2e_a)
    for blk in bm["blocks"]:
        msg = _apply(blk["edge"], jnp.concatenate([xs2[ei_h2e[0]], xd2[ei_h2e[1]], ee2], -1))
        ee2 = ee2 + msg
        agg = jax.ops.segment_sum(msg, ei_h2e[1], num_segments=bse * ERA)
        xd2 = xd2 + _apply(blk["node"], jnp.concatenate([xd2, agg], -1))
    out = _apply(bm["out"], xd2)
    return out.reshape(bs, ens, n, INF)


def setup_inputs(seed: int = 0) -> dict:
    key = jax.random.key(seed)
    ks = jax.random.split(key, 32)
    x = jax.random.normal(ks[0], (1, 1, MS, ERA, F), jnp.float32)
    era_latlons = jax.random.uniform(ks[1], (ERA, 4), jnp.float32, -1.0, 1.0)
    h_latlons = jax.random.uniform(ks[2], (H, 4), jnp.float32, -1.0, 1.0)
    era_trainable = jnp.zeros((ERA, TR), jnp.float32)
    h_trainable = jnp.zeros((H, TR), jnp.float32)
    e2h_trainable = jnp.zeros((E2H, TR), jnp.float32)
    h2e_trainable = jnp.zeros((H2E, TR), jnp.float32)
    h2h_trainable = jnp.zeros((H2H, TR), jnp.float32)
    e2h_edge_attr = jax.random.normal(ks[3], (E2H, 3), jnp.float32)
    h2h_edge_attr = jax.random.normal(ks[4], (H2H, 3), jnp.float32)
    h2e_edge_attr = jax.random.normal(ks[5], (H2E, 3), jnp.float32)
    e2h_edge_index = jnp.stack([jax.random.randint(ks[6], (E2H,), 0, ERA), jax.random.randint(ks[7], (E2H,), 0, H)], 0)
    h2h_edge_index = jnp.stack([jax.random.randint(ks[8], (H2H,), 0, H), jax.random.randint(ks[9], (H2H,), 0, H)], 0)
    h2e_edge_index = jnp.stack([jax.random.randint(ks[10], (H2E,), 0, H), jax.random.randint(ks[11], (H2E,), 0, ERA)], 0)
    z = jax.random.normal(ks[12], (H, 1), jnp.float32)
    params = {
        "fmap": {"src_emb": _mlp(ks[13], (MS * F + 4 + TR, HID, HID)), "dst_emb": _mlp(ks[14], (4 + TR, HID, HID)), "edge_emb": _mlp(ks[15], (EDIM, HID, HID)), "blocks": [_block(ks[16], HID)]},
        "proc": {"edge_emb": _mlp(ks[17], (EDIM, HID + 1, HID + 1)), "blocks": [_block(ks[18], HID + 1), _block(ks[19], HID + 1)]},
        "bmap": {"src_emb": _mlp(ks[20], (HID, HID, HID)), "dst_emb": _mlp(ks[21], (HID, HID, HID)), "edge_emb": _mlp(ks[22], (EDIM, HID, HID)), "blocks": [_block(ks[23], HID)], "out": _mlp(ks[24], (HID, HID, INF), ln=False)},
    }
    return {"x": x, "era_latlons": era_latlons, "h_latlons": h_latlons, "era_trainable": era_trainable, "h_trainable": h_trainable, "e2h_trainable": e2h_trainable, "h2e_trainable": h2e_trainable, "h2h_trainable": h2h_trainable, "e2h_edge_attr": e2h_edge_attr, "h2h_edge_attr": h2h_edge_attr, "h2e_edge_attr": h2e_edge_attr, "e2h_edge_index": e2h_edge_index, "h2h_edge_index": h2h_edge_index, "h2e_edge_index": h2e_edge_index, "z": z, "params": params}


def reference(x, era_latlons, h_latlons, era_trainable, h_trainable, e2h_trainable, h2e_trainable, h2h_trainable, e2h_edge_attr, h2h_edge_attr, h2e_edge_attr, e2h_edge_index, h2h_edge_index, h2e_edge_index, z, params):
    return _forward(x, era_latlons, h_latlons, era_trainable, h_trainable, e2h_trainable, h2e_trainable, h2h_trainable, e2h_edge_attr, h2h_edge_attr, h2e_edge_attr, z, params, e2h_edge_index, h2h_edge_index, h2e_edge_index)

if __name__ == "__main__":
    import jax
    _d = setup_inputs()
    print(jax.jit(kernel)(*tuple(_d.values())))

</pallas_src>

<mosaic_0001>
#map = affine_map<(d0, d1) -> (0, 0)>
#map1 = affine_map<(d0, d1) -> (0)>
module attributes {stable_mosaic.version = 14 : i64} {
  func.func @k(%arg0: i32, %arg1: i32, %arg2: memref<50000x128xf32, #tpu.memory_space<hbm>>, %arg3: memref<10000x128xf32, #tpu.memory_space<hbm>>, %arg4: memref<160000xi32, #tpu.memory_space<hbm>>, %arg5: memref<160000xi32, #tpu.memory_space<hbm>>, %arg6: memref<160000x128xf32, #tpu.memory_space<hbm>>, %arg7: memref<160000x128xf32, #tpu.memory_space<hbm>>, %arg8: memref<160xi32, #tpu.memory_space<vmem>>, %arg9: memref<160xi32, #tpu.memory_space<vmem>>, %arg10: memref<160x128xf32, #tpu.memory_space<vmem>>, %arg11: memref<160x128xf32, #tpu.memory_space<vmem>>, %arg12: memref<!tpu.dma_semaphore, #tpu.memory_space<semaphore_mem>>, %arg13: memref<!tpu.dma_semaphore, #tpu.memory_space<semaphore_mem>>, %arg14: memref<10000x128xf32, #tpu.memory_space<vmem_shared>>) attributes {dimension_semantics = [#tpu.dimension_semantics<core_parallel>, #tpu.dimension_semantics<subcore_parallel>], iteration_bounds = array<i64: 2, 16>, scalar_prefetch = 0 : i64, scratch_operands = 7 : i64, tpu.core_type = #tpu.core_type<sc_vector_subcore>, window_params = [{transform_indices = #map}, {transform_indices = #map}, {transform_indices = #map1}, {transform_indices = #map1}, {transform_indices = #map}, {transform_indices = #map}]} {
    %mul3A = arith.constant 2 : i32
    %mul3A_0 = arith.muli %arg1, %mul3A : i32
    %add3A = arith.addi %mul3A_0, %arg0 : i32
    %scan3A = arith.constant 0 : i32
    %scan3A_1 = arith.constant 0 : i32
    %scan3A_2 = arith.constant 4 : i32
    %scan3A_3 = arith.addi %scan3A_1, %scan3A_2 : i32
    %scan3A_4 = arith.constant 1 : i32
    scf.for %scan3A_12 = %scan3A_1 to %scan3A_3 step %scan3A_4  : i32 {
      %mul3A_13 = arith.constant 16 : i32
      %mul3A_14 = arith.muli %scan3A_12, %mul3A_13 : i32
      %add3A_15 = arith.addi %mul3A_14, %arg1 : i32
      %lt3A = arith.constant 50 : i32
      %lt3A_16 = arith.cmpi slt, %add3A_15, %lt3A : i32
      %convert_element_type3A = arith.extui %lt3A_16 : i1 to i32
      %cond3A = arith.constant 0 : i32
      %cond3A_17 = arith.cmpi ne, %convert_element_type3A, %cond3A : i32
      scf.if %cond3A_17 {
        %mul3A_18 = arith.constant 200 : i32
        %mul3A_19 = arith.muli %add3A_15, %mul3A_18 : i32
        %mul3A_20 = arith.constant 200 : i32
        %mul3A_21 = arith.muli %add3A_15, %mul3A_20 : i32
        "tpu.region"() ({
          %run_scoped3A = tpu.sem_alloc : memref<!tpu.dma_semaphore, #tpu.memory_space<semaphore_mem>>
          %dma_start3A = arith.constant 0 : i32
          %dma_start3A_22 = tpu.memref_slice %arg14[%mul3A_21, %dma_start3A] : memref<10000x128xf32, #tpu.memory_space<vmem_shared>> -> memref<200x128xf32, #tpu.memory_space<vmem_shared>>
          %dma_start3A_23 = arith.constant 0 : i32
          %dma_start3A_24 = tpu.memref_slice %arg3[%mul3A_19, %dma_start3A_23] : memref<10000x128xf32, #tpu.memory_space<hbm>> -> memref<200x128xf32, #tpu.memory_space<hbm>>
          tpu.enqueue_dma source(%dma_start3A_24 : memref<200x128xf32, #tpu.memory_space<hbm>>) target(%dma_start3A_22 : memref<200x128xf32, #tpu.memory_space<vmem_shared>>) target_semaphore(%run_scoped3A : memref<!tpu.dma_semaphore, #tpu.memory_space<semaphore_mem>>)
          %dma_wait3A = arith.constant 0 : i32
          %dma_wait3A_25 = tpu.memref_slice %arg14[%mul3A_21, %dma_wait3A] : memref<10000x128xf32, #tpu.memory_space<vmem_shared>> -> memref<200x128xf32, #tpu.memory_space<vmem_shared>>
          %dma_wait3A_26 = arith.constant 0 : i32
          %dma_wait3A_27 = tpu.memref_slice %arg3[%mul3A_19, %dma_wait3A_26] : memref<10000x128xf32, #tpu.memory_space<hbm>> -> memref<200x128xf32, #tpu.memory_space<hbm>>
          tpu.wait_dma2 semaphore(%run_scoped3A : memref<!tpu.dma_semaphore, #tpu.memory_space<semaphore_mem>>) src(%dma_wait3A_27 : memref<200x128xf32, #tpu.memory_space<hbm>>) dst(%dma_wait3A_25 : memref<200x128xf32, #tpu.memory_space<vmem_shared>>)
          tpu.yield
        }) : () -> ()
      } else {
      }
    }
    %scan3A_5 = arith.constant 4 : i32
    %barrier3A = arith.constant 0 : index
    tpu.barrier barrier_id(%barrier3A)
    %scan3A_6 = arith.constant 0 : i32
    %scan3A_7 = arith.constant 0 : i32
    %scan3A_8 = arith.constant 32 : i32
    %scan3A_9 = arith.addi %scan3A_7, %scan3A_8 : i32
    %scan3A_10 = arith.constant 1 : i32
    scf.for %scan3A_12 = %scan3A_7 to %scan3A_9 step %scan3A_10  : i32 {
      %mul3A_13 = arith.constant 32 : i32
      %mul3A_14 = arith.muli %scan3A_12, %mul3A_13 : i32
      %add3A_15 = arith.addi %mul3A_14, %add3A : i32
      %lt3A = arith.constant 1000 : i32
      %lt3A_16 = arith.cmpi slt, %add3A_15, %lt3A : i32
      %convert_element_type3A = arith.extui %lt3A_16 : i1 to i32
      %cond3A = arith.constant 0 : i32
      %cond3A_17 = arith.cmpi ne, %convert_element_type3A, %cond3A : i32
      scf.if %cond3A_17 {
        %mul3A_18 = arith.constant 160 : i32
        %mul3A_19 = arith.muli %add3A_15, %mul3A_18 : i32
        "tpu.region"() ({
          %run_scoped3A = tpu.sem_alloc : memref<!tpu.dma_semaphore, #tpu.memory_space<semaphore_mem>>
          %dma_start3A_30 = tpu.memref_slice %arg4[%mul3A_19] : memref<160000xi32, #tpu.memory_space<hbm>> -> memref<160xi32, #tpu.memory_space<hbm>>
          %dma_start3A_31 = tpu.memref_slice %arg4[%mul3A_19] : memref<160000xi32, #tpu.memory_space<hbm>> -> memref<160xi32, #tpu.memory_space<hbm>>
          tpu.enqueue_dma source(%dma_start3A_31 : memref<160xi32, #tpu.memory_space<hbm>>) target(%arg8 : memref<160xi32, #tpu.memory_space<vmem>>) target_semaphore(%run_scoped3A : memref<!tpu.dma_semaphore, #tpu.memory_space<semaphore_mem>>)
          %dma_wait3A_32 = tpu.memref_slice %arg4[%mul3A_19] : memref<160000xi32, #tpu.memory_space<hbm>> -> memref<160xi32, #tpu.memory_space<hbm>>
          %dma_wait3A_33 = tpu.memref_slice %arg4[%mul3A_19] : memref<160000xi32, #tpu.memory_space<hbm>> -> memref<160xi32, #tpu.memory_space<hbm>>
          tpu.wait_dma2 semaphore(%run_scoped3A : memref<!tpu.dma_semaphore, #tpu.memory_space<semaphore_mem>>) src(%dma_wait3A_33 : memref<160xi32, #tpu.memory_space<hbm>>) dst(%arg8 : memref<160xi32, #tpu.memory_space<vmem>>)
          tpu.yield
        }) : () -> ()
        "tpu.region"() ({
          %run_scoped3A = tpu.sem_alloc : memref<!tpu.dma_semaphore, #tpu.memory_space<semaphore_mem>>
          %dma_start3A_30 = tpu.memref_slice %arg5[%mul3A_19] : memref<160000xi32, #tpu.memory_space<hbm>> -> memref<160xi32, #tpu.memory_space<hbm>>
          %dma_start3A_31 = tpu.memref_slice %arg5[%mul3A_19] : memref<160000xi32, #tpu.memory_space<hbm>> -> memref<160xi32, #tpu.memory_space<hbm>>
          tpu.enqueue_dma source(%dma_start3A_31 : memref<160xi32, #tpu.memory_space<hbm>>) target(%arg9 : memref<160xi32, #tpu.memory_space<vmem>>) target_semaphore(%run_scoped3A : memref<!tpu.dma_semaphore, #tpu.memory_space<semaphore_mem>>)
          %dma_wait3A_32 = tpu.memref_slice %arg5[%mul3A_19] : memref<160000xi32, #tpu.memory_space<hbm>> -> memref<160xi32, #tpu.memory_space<hbm>>
          %dma_wait3A_33 = tpu.memref_slice %arg5[%mul3A_19] : memref<160000xi32, #tpu.memory_space<hbm>> -> memref<160xi32, #tpu.memory_space<hbm>>
          tpu.wait_dma2 semaphore(%run_scoped3A : memref<!tpu.dma_semaphore, #tpu.memory_space<semaphore_mem>>) src(%dma_wait3A_33 : memref<160xi32, #tpu.memory_space<hbm>>) dst(%arg9 : memref<160xi32, #tpu.memory_space<vmem>>)
          tpu.yield
        }) : () -> ()
        %dma_start3A = arith.constant 0 : i32
        %dma_start3A_20 = arith.constant 0 : i32
        %dma_start3A_21 = tpu.memref_slice %arg2[%dma_start3A, %dma_start3A_20] : memref<50000x128xf32, #tpu.memory_space<hbm>> -> memref<50000x128xf32, #tpu.memory_space<hbm>>
        tpu.enqueue_indirect_dma source(%dma_start3A_21 : memref<50000x128xf32, #tpu.memory_space<hbm>>) target(%arg10 : memref<160x128xf32, #tpu.memory_space<vmem>>) offsets(%arg8 : memref<160xi32, #tpu.memory_space<vmem>>) semaphore(%arg12 : memref<!tpu.dma_semaphore, #tpu.memory_space<semaphore_mem>>)
        %dma_start3A_22 = arith.constant 0 : i32
        %dma_start3A_23 = arith.constant 0 : i32
        %dma_start3A_24 = tpu.memref_slice %arg14[%dma_start3A_22, %dma_start3A_23] : memref<10000x128xf32, #tpu.memory_space<vmem_shared>> -> memref<10000x128xf32, #tpu.memory_space<vmem_shared>>
        tpu.enqueue_indirect_dma source(%dma_start3A_24 : memref<10000x128xf32, #tpu.memory_space<vmem_shared>>) target(%arg11 : memref<160x128xf32, #tpu.memory_space<vmem>>) offsets(%arg9 : memref<160xi32, #tpu.memory_space<vmem>>) semaphore(%arg13 : memref<!tpu.dma_semaphore, #tpu.memory_space<semaphore_mem>>)
        %dma_wait3A = arith.constant 0 : i32
        %dma_wait3A_25 = arith.constant 0 : i32
        %dma_wait3A_26 = tpu.memref_slice %arg2[%dma_wait3A, %dma_wait3A_25] : memref<50000x128xf32, #tpu.memory_space<hbm>> -> memref<50000x128xf32, #tpu.memory_space<hbm>>
        tpu.wait_indirect_dma semaphore(%arg12 : memref<!tpu.dma_semaphore, #tpu.memory_space<semaphore_mem>>) src(%dma_wait3A_26 : memref<50000x128xf32, #tpu.memory_space<hbm>>) dst(%arg10 : memref<160x128xf32, #tpu.memory_space<vmem>>)
        %dma_wait3A_27 = arith.constant 0 : i32
        %dma_wait3A_28 = arith.constant 0 : i32
        %dma_wait3A_29 = tpu.memref_slice %arg14[%dma_wait3A_27, %dma_wait3A_28] : memref<10000x128xf32, #tpu.memory_space<vmem_shared>> -> memref<10000x128xf32, #tpu.memory_space<vmem_shared>>
        tpu.wait_indirect_dma semaphore(%arg13 : memref<!tpu.dma_semaphore, #tpu.memory_space<semaphore_mem>>) src(%dma_wait3A_29 : memref<10000x128xf32, #tpu.memory_space<vmem_shared>>) dst(%arg11 : memref<160x128xf32, #tpu.memory_space<vmem>>)
        "tpu.region"() ({
          %run_scoped3A = tpu.sem_alloc : memref<!tpu.dma_semaphore, #tpu.memory_space<semaphore_mem>>
          %dma_start3A_30 = arith.constant 0 : i32
          %dma_start3A_31 = tpu.memref_slice %arg6[%mul3A_19, %dma_start3A_30] : memref<160000x128xf32, #tpu.memory_space<hbm>> -> memref<160x128xf32, #tpu.memory_space<hbm>>
          %dma_start3A_32 = arith.constant 0 : i32
          %dma_start3A_33 = tpu.memref_slice %arg6[%mul3A_19, %dma_start3A_32] : memref<160000x128xf32, #tpu.memory_space<hbm>> -> memref<160x128xf32, #tpu.memory_space<hbm>>
          tpu.enqueue_dma source(%arg10 : memref<160x128xf32, #tpu.memory_space<vmem>>) target(%dma_start3A_33 : memref<160x128xf32, #tpu.memory_space<hbm>>) target_semaphore(%run_scoped3A : memref<!tpu.dma_semaphore, #tpu.memory_space<semaphore_mem>>)
          %dma_wait3A_34 = arith.constant 0 : i32
          %dma_wait3A_35 = tpu.memref_slice %arg6[%mul3A_19, %dma_wait3A_34] : memref<160000x128xf32, #tpu.memory_space<hbm>> -> memref<160x128xf32, #tpu.memory_space<hbm>>
          %dma_wait3A_36 = arith.constant 0 : i32
          %dma_wait3A_37 = tpu.memref_slice %arg6[%mul3A_19, %dma_wait3A_36] : memref<160000x128xf32, #tpu.memory_space<hbm>> -> memref<160x128xf32, #tpu.memory_space<hbm>>
          tpu.wait_dma2 semaphore(%run_scoped3A : memref<!tpu.dma_semaphore, #tpu.memory_space<semaphore_mem>>) src(%arg10 : memref<160x128xf32, #tpu.memory_space<vmem>>) dst(%dma_wait3A_37 : memref<160x128xf32, #tpu.memory_space<hbm>>)
          tpu.yield
        }) : () -> ()
        "tpu.region"() ({
          %run_scoped3A = tpu.sem_alloc : memref<!tpu.dma_semaphore, #tpu.memory_space<semaphore_mem>>
          %dma_start3A_30 = arith.constant 0 : i32
          %dma_start3A_31 = tpu.memref_slice %arg7[%mul3A_19, %dma_start3A_30] : memref<160000x128xf32, #tpu.memory_space<hbm>> -> memref<160x128xf32, #tpu.memory_space<hbm>>
          %dma_start3A_32 = arith.constant 0 : i32
          %dma_start3A_33 = tpu.memref_slice %arg7[%mul3A_19, %dma_start3A_32] : memref<160000x128xf32, #tpu.memory_space<hbm>> -> memref<160x128xf32, #tpu.memory_space<hbm>>
          tpu.enqueue_dma source(%arg11 : memref<160x128xf32, #tpu.memory_space<vmem>>) target(%dma_start3A_33 : memref<160x128xf32, #tpu.memory_space<hbm>>) target_semaphore(%run_scoped3A : memref<!tpu.dma_semaphore, #tpu.memory_space<semaphore_mem>>)
          %dma_wait3A_34 = arith.constant 0 : i32
          %dma_wait3A_35 = tpu.memref_slice %arg7[%mul3A_19, %dma_wait3A_34] : memref<160000x128xf32, #tpu.memory_space<hbm>> -> memref<160x128xf32, #tpu.memory_space<hbm>>
          %dma_wait3A_36 = arith.constant 0 : i32
          %dma_wait3A_37 = tpu.memref_slice %arg7[%mul3A_19, %dma_wait3A_36] : memref<160000x128xf32, #tpu.memory_space<hbm>> -> memref<160x128xf32, #tpu.memory_space<hbm>>
          tpu.wait_dma2 semaphore(%run_scoped3A : memref<!tpu.dma_semaphore, #tpu.memory_space<semaphore_mem>>) src(%arg11 : memref<160x128xf32, #tpu.memory_space<vmem>>) dst(%dma_wait3A_37 : memref<160x128xf32, #tpu.memory_space<hbm>>)
          tpu.yield
        }) : () -> ()
      } else {
      }
    }
    %scan3A_11 = arith.constant 32 : i32
    return
  }
}

</mosaic_0001>

<sc_bundles>
// kernel: _gather2.3.cloned.1.call-start
scs
__scs_entry_jumppad:
0x0: {  	(pc) =	sbr.rel $0x88, $3  }
0x1: {  	(tag) =	ssettag $0x0;
	lr =	simm.s32 $0x1  }
0x2: {  	[smem:$0x3F9D] =	sst lr;
	_ =	strace $0xD0000000  }
0x3: {  	_ = 	snop  }
0x4: {  	_ = 	snop  }
0x5: {  	_ = 	snop  }
0x6: {  	_ = 	snop  }
0x7: {  	_ = 	snop  }
__scs_overlays_trampoline_lowered:
0x8: {  	[smem:$0x3FAC] =	sst s0  }
0x9: {  	[smem:$0x3FAD] =	sst s1  }
0xa: {  	[smem:$0x3FAE] =	sst s2  }
0xb: {  	[smem:$0x3FAF] =	sst s3  }
0xc: {  	[smem:$0x3FB0] =	sst s4  }
0xd: {  	[smem:$0x3FB1] =	sst s5  }
0xe: {  	[smem:$0x3FB2] =	sst s6  }
0xf: {  	[smem:$0x3FB3] =	sst s7  }
0x10: {  	[smem:$0x3FB4] =	sst s8  }
0x11: {  	[smem:$0x3FB5] =	sst s9;
	s0 =	simm.s32 @!p0 $0x0  }
0x12: {  	s1 =	sld [smem:$0x3F9B];
	s0 =	simm.s32 @p0 $0x1  }
0x13: {  	[smem:$0x3FB6] =	sst s0;
	s0 =	simm.s32 @!p1 $0x0  }
0x14: {  	s2 =	sld [smem:$0x3F9A];
	s0 =	simm.s32 @p1 $0x1  }
0x15: {  	[smem:$0x3FB7] =	sst s0;
	s0 =	simm.s32 @!p2 $0x0  }
0x16: {  	s3 =	sld [smem:$0x3FDB];
	s0 =	simm.s32 @p2 $0x1  }
0x17: {  	s4 =	simm.s32 $0x1BF5;
	[smem:$0x3FB9] =	sst s0  }
0x18: {  	s0 =	sld [smem:$0x3F9C];
	_ =	swait.ge [sflag:s4], $0x0  }
0x19: {  	s7 =	sld [smem:$0x3F9D]  }
0x1a: {  	s8 =	sadd.s32 $0xFFFFE003, lr  }
0x1b: {  	s9 =	sadd.s32 $0xFFFFFEF7, lr;
	s5 =	simm.s32 $0xFFFFFFFF;
	p2 =	slt.u32 s8, $0xFFFFF086  }
0x1c: {  	p1 =	slt.u32 s9, $0xF7A;
	s5 =	simm.s32 @!p2 $0x0  }
0x1d: {  	s5 =	simm.s32 @p1 $0x1;
	p0 =	seq.s32 s7, s2  }
0x1e: {  	s7 =	smul.u32 @!p0 $0xF7A, s2;
	p2 =	seq.s32 @!p0 s5, $0x0  }
0x1f: {  	s9 =	smul.u32 $0xF7A, s1;
	s8 =	simm.s32 @!p0 $0x1BF5;
	p2 =	por !p2, p0  }
0x20: {  	[sflag:s8] =	ssyncset.s32 @!p0 $0xFFFFF086;
	s6 =	sadd.s32 @!p0 s3, s7;
	s7 =	simm.s32 @!p0 $0x108  }
0x21: {  	s3 =	sadd.s32 s3, s9;
	s6 =	sadd.s32 @!p0 $0x88, s6;
	s7 =	simm.s32 @p2 $0x1082  }
0x22: {  	[simem:s7], [sflag:s8] =	dma.local @!p0 [hbm:s6], $0xF7A  }
0x23: {  	s9 =	sor.u32 $0xD0000000, s2;
	s6 =	simm.s32 $0x108;
	_ =	swait.ge @!p0 [sflag:s8], $0x0  }
0x24: {  	s3 =	sadd.s32 $0x88, s3;
	s6 =	simm.s32 @!p1 $0x1082;
	[sflag:s4] =	ssyncset.s32 $0xFFFFF086  }
0x25: {  	[simem:s6], [sflag:s4] =	dma.local [hbm:s3], $0xF7A  }
0x26: {  	[smem:$0x3F9D] =	sst s1;
	(tag) =	ssettag s2;
	_ =	strace s9  }
0x27: {  	s1 =	sld [smem:$0x3FAD]  }
0x28: {  	s2 =	sld [smem:$0x3FAE]  }
0x29: {  	s4 =	sld [smem:$0x3FB0]  }
0x2a: {  	p0 =	seq.s32 s5, $0x0;
	s5 =	sld [smem:$0x3FB1]  }
0x2b: {  	s6 =	sld [smem:$0x3FB2]  }
0x2c: {  	s7 =	sld [smem:$0x3FB3]  }
0x2d: {  	s3 =	simm.s32 $0x108;
	s8 =	sld [smem:$0x3FB4]  }
0x2e: {  	s3 =	simm.s32 @!p0 $0x1082;
	s9 =	sld [smem:$0x3FB5]  }
0x2f: {  	lr =	sadd.s32 s0, s3;
	s0 =	sld [smem:$0x3FAC]  }
0x30: {  	s3 =	sld [smem:$0x3FAF]  }
0x31: {  	[smem:$0x3FB8] =	sst s10  }
0x32: {  	s10 =	sld [smem:$0x3FB6];
	_ =	sdelay $0x3  }
0x33: {  	p0 =	seq.s32 s10, $0x1;
	s10 =	sld [smem:$0x3FB8];
	_ =	sdelay $0x3  }
0x34: {  	[smem:$0x3FB8] =	sst s10  }
0x35: {  	s10 =	sld [smem:$0x3FB7];
	_ =	sdelay $0x3  }
0x36: {  	p1 =	seq.s32 s10, $0x1;
	s10 =	sld [smem:$0x3FB8];
	_ =	sdelay $0x3  }
0x37: {  	[smem:$0x3FB8] =	sst s10  }
0x38: {  	s10 =	sld [smem:$0x3FB9]  }
0x39: {  	_ = 	snop;
	(pc) =	sbr.ind lr, $3  }
0x3a: {  	_ = 	snop  }
0x3b: {  	_ = 	snop  }
0x3c: {  	p2 =	seq.s32 s10, $0x1;
	s10 =	sld [smem:$0x3FB8]  }
0x3d: {  	_ =	shalt  }
0x3e: {  	_ =	shalt  }
0x3f: {  	_ =	shalt  }
0x40: {  	_ =	shalt  }
0x41: {  	_ =	shalt  }
0x42: {  	_ =	shalt  }
0x43: {  	_ =	shalt  }
0x44: {  	_ =	shalt  }
0x45: {  	_ =	shalt  }
0x46: {  	_ =	shalt  }
0x47: {  	_ =	shalt  }
0x48: {  	_ =	shalt  }
0x49: {  	_ =	shalt  }
0x4a: {  	_ =	shalt  }
0x4b: {  	_ =	shalt  }
0x4c: {  	_ =	shalt  }
0x4d: {  	_ =	shalt  }
0x4e: {  	_ =	shalt  }
0x4f: {  	_ =	shalt  }
0x50: {  	_ =	shalt  }
0x51: {  	_ =	shalt  }
0x52: {  	_ =	shalt  }
0x53: {  	_ =	shalt  }
0x54: {  	_ =	shalt  }
0x55: {  	_ =	shalt  }
0x56: {  	_ =	shalt  }
0x57: {  	_ =	shalt  }
0x58: {  	_ =	shalt  }
0x59: {  	_ =	shalt  }
0x5a: {  	_ =	shalt  }
0x5b: {  	_ =	shalt  }
0x5c: {  	_ =	shalt  }
0x5d: {  	_ =	shalt  }
0x5e: {  	_ =	shalt  }
0x5f: {  	_ =	shalt  }
0x60: {  	_ =	shalt  }
0x61: {  	_ =	shalt  }
0x62: {  	_ =	shalt  }
0x63: {  	_ =	shalt  }
0x64: {  	_ =	shalt  }
0x65: {  	_ =	shalt  }
0x66: {  	_ =	shalt  }
0x67: {  	_ =	shalt  }
0x68: {  	_ =	shalt  }
0x69: {  	_ =	shalt  }
0x6a: {  	_ =	shalt  }
0x6b: {  	_ =	shalt  }
0x6c: {  	_ =	shalt  }
0x6d: {  	_ =	shalt  }
0x6e: {  	_ =	shalt  }
0x6f: {  	_ =	shalt  }
0x70: {  	_ =	shalt  }
0x71: {  	_ =	shalt  }
0x72: {  	_ =	shalt  }
0x73: {  	_ =	shalt  }
0x74: {  	_ =	shalt  }
0x75: {  	_ =	shalt  }
0x76: {  	_ =	shalt  }
0x77: {  	_ =	shalt  }
0x78: {  	_ =	shalt  }
0x79: {  	_ =	shalt  }
0x7a: {  	_ =	shalt  }
0x7b: {  	_ =	shalt  }
0x7c: {  	_ =	shalt  }
0x7d: {  	_ =	shalt  }
0x7e: {  	_ =	shalt  }
0x7f: {  	_ =	shalt  }
0x80: {  	_ =	shalt  }
0x81: {  	_ =	shalt  }
0x82: {  	_ =	shalt  }
0x83: {  	_ =	shalt  }
0x84: {  	_ =	shalt  }
0x85: {  	_ =	shalt  }
0x86: {  	_ =	shalt  }
0x87: {  	_ =	shalt  }
.Lfunc_end0:
.L_simem_size_0:
called_computation_lowered:
.L_overlay_start_0:
0x88: {  	s2 =	sld [smem:$0x3FD9]  }
0x89: {  	s3 =	sld [smem:$0x3FFE];
	_ =	sdelay $0x1  }
0x8a: {  	s1 =	srdreg.scid  }
0x8b: {  	s0 =	sand.u32 $0x1, s1  }
0x8c: {  	s15 =	sshll.u32 s0, $0xA;
	s2 =	sadd.s32 s3, s2  }
0x8d: {  	s2 =	sadd.s32 s2, s15  }
0x8e: {  	[smem:$0x3FC4] =	sst s2  }
0x8f: {  	_ = 	snop  }
0x90: {  	s2 =	sld [smem:$0x3FC9]  }
0x91: {  	s16 =	sld [smem:$0x3FD0]  }
0x92: {  	s4 =	sld [smem:$0x3FC8]  }
0x93: {  	s5 =	sld [smem:$0x3FC7]  }
0x94: {  	s7 =	simm.s32 $0xA;
	s8 =	simm.s32 $0x10;
	s6 =	sld [smem:$0x3FC6]  }
0x95: {  	[smem:s8], [sflag:s7] =	dma.local [hbm:s16], $0x1  }
0x96: {  	_ =	swait.eq [sflag:s7], $0x1  }
0x97: {  	[sflag:s7] =	ssyncset.done $0x0  }
0x98: {  	s17 =	sld [smem:$0x10];
	[sflag:s7] =	ssyncadd.s32 $0xFFFFFFFF  }
0x99: {  	s18 =	sld [smem:$0x11];
	(tm) =	ssettm $0x1  }
0x9a: {  	s19 =	sld [smem:$0x3FFB];
	_ =	sdelay $0x3  }
0x9b: {  	_ =	strace s19  }
0x9c: {  	s8 =	sld [smem:$0x3FFC];
	_ =	sdelay $0x3  }
0x9d: {  	_ =	strace s8  }
0x9e: {  	s8 =	sld [smem:$0x3FFD];
	_ =	sdelay $0x3  }
0x9f: {  	_ =	strace s8  }
0xa0: {  	_ =	strace $0x8FFFFFFF  }
0xa1: {  	s20 =	sld [smem:$0x3FDB];
	_ =	sdelay $0x1  }
0xa2: {  	s9 =	simm.s32 $_scs_section_size  }
0xa3: {  	s10 =	simm.s32 $_size__tile_overlayer_lowered;
	s11 =	simm.s32 $_tile_overlayer_lowered  }
0xa4: {  	s23 =	simm.s32 $0x1BFF;
	s22 =	sshll.u32 s11, $0x1;
	s8 =	sadd.s32 s9, s20  }
0xa5: {  	s12 =	simm.s32 $0x0;
	s21 =	sshll.u32 s10, $0x1;
	s10 =	sadd.s32 s22, s8  }
0xa6: {  	[timem:s12], [sflag:s23] =	dma.local [hbm:s10], s21  }
0xa7: {  	_ =	swait.ge [sflag:s23], s21  }
0xa8: {  	s9 =	ssub.s32 $0x0, s21;
	[sflag:s23] =	ssyncset.done $0x0  }
0xa9: {  	[sflag:s23] =	ssyncadd.s32 s9;
	_ =	sdelay $0x1  }
0xaa: {  	s24 =	simm.s32 $0x1B8B  }
0xab: {  	_ =	swait.ge [sflag:s24], $0x1  }
0xac: {  	[sflag:s24] =	ssyncset.done $0x0  }
0xad: {  	s25 =	simm.s32 $0x1B8E;
	[sflag:s24] =	ssyncadd.s32 $0xFFFFFFFF  }
0xae: {  	s26 =	simm.s32 $execute0_lowered;
	[smem:$0x3FD2] =	sst s25  }
0xaf: {  	s9 =	sshll.u32 s26, $0x1;
	_ =	strace $0x80000046;
	[dreg:$0x1] =	wrdreg $0xFFFFFFFF  }
0xb0: {  	s28 =	simm.s32 $_size_execute0_lowered;
	s8 =	sadd.s32 s8, s9;
	[dreg:$0x0] =	wrdreg $0x0  }
0xb1: {  	s9 =	sshll.u32 s28, $0x1;
	[dreg:$0x2] =	wrdreg s8  }
0xb2: {  	[dreg:$0x3] =	wrdreg s9  }
0xb3: {  	[dreg:$0x4] =	wrdreg $0xC0  }
0xb4: {  	_ =	task [dreg:s12], $0x5FFFF  }
0xb5: {  	[dreg:$0x1] =	wrdreg $0xFFFFFFFF  }
0xb6: {  	[dreg:$0x0] =	wrdreg $0x60  }
0xb7: {  	[dreg:$0x2] =	wrdreg s2  }
0xb8: {  	[dreg:$0x3] =	wrdreg s4  }
0xb9: {  	[dreg:$0x4] =	wrdreg s5  }
0xba: {  	[dreg:$0x5] =	wrdreg s6  }
0xbb: {  	[dreg:$0x6] =	wrdreg s17  }
0xbc: {  	[dreg:$0x7] =	wrdreg s18  }
0xbd: {  	[dreg:$0x8] =	wrdreg $0xA2000  }
0xbe: {  	[dreg:$0x9] =	wrdreg $0x9  }
0xbf: {  	_ =	task.clear_ibuf [dreg:s12], $0xAFFFF;
	_ =	strace $0x90000046  }
0xc0: {  	s29 =	simm.s32 $0x9;
	_ =	strace $0x80000048  }
0xc1: {  	_ =	swait.ge [sflag:s29], $0x1  }
0xc2: {  	[sflag:s29] =	ssyncadd.s32 $0xFFFFFFFF  }
0xc3: {  	_ =	strace $0x90000048  }
0xc4: {  	_ =	sfence  }
0xc5: {  	s30 =	sld [smem:$0x0];
	_ =	sdelay $0x2  }
0xc6: {  	s31 =	sshll.u32 s1, $0xD;
	s1 =	sshrl.u32 s1, $0x2  }
0xc7: {  	s3 =	sand.u32 $0x4000, s31;
	s1 =	sadd.s32 s1, s30  }
0xc8: {  	s0 =	sor.u32 s3, s0;
	s1 =	sshll.u32 s1, $0x11  }
0xc9: {  	s0 =	sor.u32 s1, s0  }
0xca: {  	s0 =	sadd.s32 $0x8F2B, s0  }
0xcb: {  	[sflag:s0] =	ssyncadd.remote.s32 $0x1  }
0xcc: {  	_ =	sfence.sel $0xFFFF  }
0xcd: {  	[dreg:$0x0] =	wrdreg $0xFFFFFFFF;
	(pc) =	sbr.abs _section_cstart, $3  }
0xce: {  	[dreg:$0x1] =	wrdreg $0xFFFFFFFF  }
0xcf: {  	_ =	task.clear_ibuf [dreg:s12], $0x2FFFF;
	_ =	strace $0x9FFFFFFF  }
0xd0: {  	(tm) =	ssettm $0x7FFFFFFF  }
0xd1: {  	_ =	shalt  }
tec
execute0_lowered:
.L_overlay_start_1:
0x0: {  	(tag) =	ssettag $0x1  }
0x1: {  	s1 =	stileid.u32  }
0x2: {  	s0 =	rddreg [dreg:$0x0];
	s7 =	smul.u32 $0x19000, s1  }
0x3: {  	s11 =	rddreg [dreg:$0x1];
	s8 =	smul.u32 $0xC80, s1  }
0x4: {  	s13 =	rddreg [dreg:$0x2];
	s29 =	smul.u32 $0x1400, s1  }
0x5: {  	s14 =	rddreg [dreg:$0x3];
	s9 =	sor.u32 $0x10, s1;
	s31 =	smul.u32 $0x28, s1  }
0x6: {  	s12 =	rddreg [dreg:$0x4];
	s10 =	smul.u32 $0x19000, s9  }
0x7: {  	s15 =	rddreg [dreg:$0x5];
	s17 =	sor.u32 $0x20, s1;
	s9 =	smul.u32 $0xC80, s9  }
0x8: {  	s2 =	rddreg [dreg:$0x6];
	s19 =	smul.u32 $0x19000, s17  }
0x9: {  	s3 =	srdreg.scid;
	s20 =	sor.u32 $0x30, s1;
	s17 =	smul.u32 $0xC80, s17  }
0xa: {  	s4 =	simm.s32 $0x0;
	s16 =	sand.u32 $0x1, s3;
	s21 =	smul.u32 $0x19000, s20  }
0xb: {  	[smem:$0x7FF] =	sst s4;
	s28 =	sshll.u32 s1, $0x6;
	s23 =	smul.u32 $0xC80, s20  }
0xc: {  	s5 =	ssub.s32 $0x2, s16;
	_ =	strace $0x80000047;
	s30 =	smul.u32 $0xA00, s16  }
0xd: {  	s16 =	smul.u32 $0x14, s16;
	p0 =	sgt.u32 s20, $0x31;
	s6 =	sshrl.u32 s5, $0x1  }
0xe: {  	s7 =	sshrl.u32 s7, $0x2;
	s12 =	sadd.s32 s29, s12;
	s15 =	sadd.s32 s29, s15  }
0xf: {  	s24 =	sadd.s32 s31, s13;
	s6 =	ssub.s32 s5, s6;
	s5 =	sshll.u32 s1, $0x1  }
0x10: {  	s18 =	sadd.s32 s7, s2;
	s7 =	sadd.s32 s11, s8;
	s8 =	sor.u32 $0x1C03, s28  }
0x11: {  	s10 =	sshrl.u32 s10, $0x2;
	s9 =	sadd.s32 s11, s9;
	s19 =	sshrl.u32 s19, $0x2  }
0x12: {  	s21 =	sshrl.u32 s21, $0x2;
	s12 =	sadd.s32 s30, s12;
	s13 =	sadd.s32 s30, s15  }
0x13: {  	s26 =	smax.u32 s6, $0x1;
	s22 =	sadd.s32 s10, s2;
	s10 =	sadd.s32 s11, s17  }
0x14: {  	s11 =	sadd.s32 s11, s23;
	s19 =	sadd.s32 s19, s2;
	s21 =	sadd.s32 s21, s2  }
0x15: {  	s17 =	sadd.s32 s31, s14;
	s14 =	sadd.s32 s16, s24;
	[dreg:$0x8] =	wrdreg s26  }
0x16: {  	s15 =	sadd.s32 s16, s17;
	s16 =	sshrl.u32 s18, $0x3;
	s17 =	simm.s32 $0x3  }
0x17: {  	s18 =	sshrl.u32 s22, $0x3;
	s19 =	sshrl.u32 s19, $0x3;
	s20 =	sshrl.u32 @!p0 s21, $0x3  }
.LBB2_1:
0x18: {  	[spmem:s16], [sflag:s8] =	dma.local [hbm:s7], $0xC80  }
0x19: {  	_ =	swait.ge [sflag:s17], $0xC80  }
0x1a: {  	[sflag:s17] =	ssyncset.done $0x0  }
0x1b: {  	[sflag:s17] =	ssyncadd.s32 $0xFFFFF380  }
0x1c: {  	[spmem:s18], [sflag:s8] =	dma.local [hbm:s9], $0xC80  }
0x1d: {  	_ =	swait.ge [sflag:s17], $0xC80  }
0x1e: {  	[sflag:s17] =	ssyncset.done $0x0  }
0x1f: {  	[sflag:s17] =	ssyncadd.s32 $0xFFFFF380  }
0x20: {  	[spmem:s19], [sflag:s8] =	dma.local [hbm:s10], $0xC80  }
0x21: {  	_ =	swait.ge [sflag:s17], $0xC80  }
0x22: {  	[sflag:s17] =	ssyncset.done $0x0  }
0x23: {  	s21 =	simm.s32 @!p0 $0x3;
	[sflag:s17] =	ssyncadd.s32 $0xFFFFF380  }
0x24: {  	[spmem:s20], [sflag:s8] =	dma.local @!p0 [hbm:s11], $0xC80  }
0x25: {  	_ =	swait.ge @!p0 [sflag:s21], $0xC80  }
0x26: {  	p1 =	sgt.u32 s5, $0x3E7;
	[sflag:s21] =	ssyncset.done @!p0 $0x0  }
0x27: {  	s22 =	simm.s32 @!p1 $0x0;
	[sflag:s21] =	ssyncadd.s32 @!p0 $0xFFFFF380  }
0x28: {  	s24 =	simm.s32 @!p1 $0x4;
	p1 =	por p1, p1;
	[bflag:$0x0] =	sbarrier.arrive $0xFFFF  }
0x29: {  	[tilespmem:s22], [sflag:$0x4] =	stream.linear.gather @!p1 [hbm4b:s14+s22], $0xA0, $0x38;
	[tilespmem:$0x1DA80] =	vst v63  }
0x2a: {  	_ =	swait.ge @!p1 [sflag:s24], $0xA0  }
0x2b: {  	[sflag:s24] =	ssyncset.done @!p1 $0x0  }
0x2c: {  	s21 =	simm.s32 @!p1 $0x100;
	[sflag:s24] =	ssyncadd.s32 @!p1 $0xFFFFFF60  }
0x2d: {  	[tilespmem:s21], [sflag:$0x4] =	stream.linear.gather @!p1 [hbm4b:s15+s22], $0xA0, $0x38;
	[tilespmem:$0x1DA80] =	vst v63  }
0x2e: {  	_ =	swait.ge @!p1 [sflag:s24], $0xA0  }
0x2f: {  	[sflag:s24] =	ssyncset.done @!p1 $0x0  }
0x30: {  	s23 =	simm.s32 @!p1 $0xA0;
	s25 =	simm.s32 @!p1 $0x200;
	[sflag:s24] =	ssyncadd.s32 @!p1 $0xFFFFFF60  }
0x31: {  	[tilespmem:s25], [sflag:$0x1] =	stream.indirect.gather @!p1 [hbm4b:s0+s23], $0x80, s22, s23, $0xb8;
	[tilespmem:$0x1DA80] =	vst v63  }
0x32: {  	s28 =	simm.s32 @!p1 $0x5200;
	s26 =	simm.s32 @!p1 $0x1  }
0x33: {  	[tilespmem:s28], [sflag:$0x2] =	stream.indirect.gather @!p1 [spmem:s2], $0x80, s21, s23, $0xb8;
	[tilespmem:$0x1DA80] =	vst v63  }
0x34: {  	_ =	swait.ge @!p1 [sflag:s26], $0x5000  }
0x35: {  	[sflag:s26] =	ssyncset.done @!p1 $0x0  }
0x36: {  	s21 =	simm.s32 @!p1 $0x2;
	[sflag:s26] =	ssyncadd.s32 @!p1 $0xFFFFB000  }
0x37: {  	_ =	swait.ge @!p1 [sflag:s21], $0x5000  }
0x38: {  	[sflag:s21] =	ssyncset.done @!p1 $0x0  }
0x39: {  	[sflag:s21] =	ssyncadd.s32 @!p1 $0xFFFFB000;
	s21 =	sadd.s32 @!p1 $0x0, s12  }
0x3a: {  	[hbm4b:s21+s22] =	stream.linear.scatter @!p1 [tilespmem:s25], [sflag:$0x4], $0x5000, $0x38;
	[tilespmem:$0x1DA80] =	vst v63  }
0x3b: {  	_ =	swait.ge @!p1 [sflag:s24], $0x5000  }
0x3c: {  	s23 =	simm.s32 $0x28000;
	s26 =	simm.s32 @!p1 $0x3;
	[sflag:s24] =	ssyncset.done @!p1 $0x0  }
0x3d: {  	s25 =	sadd.s32 $0x20, s5;
	[sflag:s24] =	ssyncadd.s32 @!p1 $0xFFFFB000;
	s24 =	sadd.s32 @!p1 $0x0, s13  }
0x3e: {  	[hbm4b:s24+s22] =	stream.linear.scatter @!p1 [tilespmem:s28], [sflag:$0x3], $0x5000, $0x38;
	[tilespmem:$0x1DA80] =	vst v63  }
0x3f: {  	s21 =	simm.s32 $0x14000;
	p3 =	sgt.u32 s25, $0x3E7;
	_ =	swait.ge @!p1 [sflag:s26], $0x5000  }
0x40: {  	s22 =	sadd.s32 $0x280, s15;
	s24 =	sadd.s32 $0x280, s14;
	[sflag:s26] =	ssyncset.done @!p1 $0x0  }
.LBB2_2:
0x41: {  	s28 =	simm.s32 @!p3 $0x0;
	s29 =	simm.s32 @!p3 $0x4;
	[sflag:s26] =	ssyncadd.s32 @!p1 $0xFFFFB000  }
0x42: {  	s26 =	smov.u32 s21;
	s21 =	smov.u32 s23;
	p1 =	por p3, p3  }
0x43: {  	[tilespmem:s28], [sflag:$0x4] =	stream.linear.gather @!p1 [hbm4b:s24+s28], $0xA0, $0x38;
	[tilespmem:$0x1DA80] =	vst v63  }
0x44: {  	s23 =	sadd.s32 $0x14000, s23;
	_ =	swait.ge @!p1 [sflag:s29], $0xA0  }
0x45: {  	p2 =	sne.s32 s23, $0x280000;
	[sflag:s29] =	ssyncset.done @!p1 $0x0  }
0x46: {  	s30 =	simm.s32 @!p1 $0x100;
	[sflag:s29] =	ssyncadd.s32 @!p1 $0xFFFFFF60  }
0x47: {  	[tilespmem:s30], [sflag:$0x4] =	stream.linear.gather @!p1 [hbm4b:s22+s28], $0xA0, $0x38;
	[tilespmem:$0x1DA80] =	vst v63  }
0x48: {  	_ =	swait.ge @!p1 [sflag:s29], $0xA0  }
0x49: {  	[sflag:s29] =	ssyncset.done @!p1 $0x0  }
0x4a: {  	s31 =	simm.s32 @!p1 $0xA0;
	s1 =	simm.s32 @!p1 $0x200;
	[sflag:s29] =	ssyncadd.s32 @!p1 $0xFFFFFF60  }
0x4b: {  	[tilespmem:s1], [sflag:$0x1] =	stream.indirect.gather @!p1 [hbm4b:s0+s31], $0x80, s28, s31, $0xb8;
	[tilespmem:$0x1DA80] =	vst v63  }
0x4c: {  	s3 =	simm.s32 @!p1 $0x5200;
	s6 =	simm.s32 @!p1 $0x1  }
0x4d: {  	[tilespmem:s3], [sflag:$0x2] =	stream.indirect.gather @!p1 [spmem:s2], $0x80, s30, s31, $0xb8;
	[tilespmem:$0x1DA80] =	vst v63  }
0x4e: {  	_ =	swait.ge @!p1 [sflag:s6], $0x5000  }
0x4f: {  	[sflag:s6] =	ssyncset.done @!p1 $0x0  }
0x50: {  	[sflag:s6] =	ssyncadd.s32 @!p1 $0xFFFFB000;
	s6 =	simm.s32 @!p1 $0x2  }
0x51: {  	_ =	swait.ge @!p1 [sflag:s6], $0x5000  }
0x52: {  	[sflag:s6] =	ssyncset.done @!p1 $0x0  }
0x53: {  	[sflag:s6] =	ssyncadd.s32 @!p1 $0xFFFFB000;
	s6 =	sadd.s32 @!p1 s26, s12  }
0x54: {  	[hbm4b:s6+s28] =	stream.linear.scatter @!p1 [tilespmem:s1], [sflag:$0x4], $0x5000, $0x38;
	[tilespmem:$0x1DA80] =	vst v63  }
0x55: {  	_ =	swait.ge @!p1 [sflag:s29], $0x5000  }
.Ltmp0:
0x56: {  	[sflag:s29] =	ssyncset.done @!p1 $0x0;
	(pc) =	sbr.rel @p2 .LBB2_2-.Ltmp0, $4  }
0x57: {  	s1 =	sadd.s32 @!p1 s26, s13;
	s26 =	simm.s32 @!p1 $0x3;
	[sflag:s29] =	ssyncadd.s32 @!p1 $0xFFFFB000  }
0x58: {  	[hbm4b:s1+s28] =	stream.linear.scatter @!p1 [tilespmem:s3], [sflag:$0x3], $0x5000, $0x38;
	[tilespmem:$0x1DA80] =	vst v63  }
0x59: {  	s25 =	sadd.s32 $0x20, s25;
	s22 =	sadd.s32 $0x280, s22;
	_ =	swait.ge @!p1 [sflag:s26], $0x5000  }
0x5a: {  	p3 =	sgt.u32 s25, $0x3E7;
	s24 =	sadd.s32 $0x280, s24;
	[sflag:s26] =	ssyncset.done @!p1 $0x0  }
0x5b: {  	s1 =	simm.s32 @!p3 $0x0  }
0x5c: {  	s3 =	simm.s32 @!p3 $0x4;
	[sflag:s26] =	ssyncadd.s32 @!p1 $0xFFFFB000;
	p1 =	por p3, p3  }
0x5d: {  	[tilespmem:s1], [sflag:$0x4] =	stream.linear.gather @!p1 [hbm4b:s24+s1], $0xA0, $0x38;
	[tilespmem:$0x1DA80] =	vst v63  }
0x5e: {  	_ =	swait.ge @!p1 [sflag:s3], $0xA0  }
0x5f: {  	[sflag:s3] =	ssyncset.done @!p1 $0x0  }
0x60: {  	s6 =	simm.s32 @!p1 $0x100;
	[sflag:s3] =	ssyncadd.s32 @!p1 $0xFFFFFF60  }
0x61: {  	[tilespmem:s6], [sflag:$0x4] =	stream.linear.gather @!p1 [hbm4b:s22+s1], $0xA0, $0x38;
	[tilespmem:$0x1DA80] =	vst v63  }
0x62: {  	_ =	swait.ge @!p1 [sflag:s3], $0xA0  }
0x63: {  	[sflag:s3] =	ssyncset.done @!p1 $0x0  }
0x64: {  	s23 =	simm.s32 @!p1 $0x200;
	s22 =	simm.s32 @!p1 $0xA0;
	[sflag:s3] =	ssyncadd.s32 @!p1 $0xFFFFFF60  }
0x65: {  	[tilespmem:s23], [sflag:$0x1] =	stream.indirect.gather @!p1 [hbm4b:s0+s22], $0x80, s1, s22, $0xb8;
	[tilespmem:$0x1DA80] =	vst v63  }
0x66: {  	s24 =	simm.s32 @!p1 $0x5200;
	s25 =	simm.s32 @!p1 $0x1  }
0x67: {  	[tilespmem:s24], [sflag:$0x2] =	stream.indirect.gather @!p1 [spmem:s2], $0x80, s6, s22, $0xb8;
	[tilespmem:$0x1DA80] =	vst v63  }
0x68: {  	_ =	swait.ge @!p1 [sflag:s25], $0x5000  }
0x69: {  	[sflag:s25] =	ssyncset.done @!p1 $0x0  }
0x6a: {  	s6 =	simm.s32 @!p1 $0x2;
	[sflag:s25] =	ssyncadd.s32 @!p1 $0xFFFFB000  }
0x6b: {  	_ =	swait.ge @!p1 [sflag:s6], $0x5000  }
0x6c: {  	[sflag:s6] =	ssyncset.done @!p1 $0x0  }
0x6d: {  	[sflag:s6] =	ssyncadd.s32 @!p1 $0xFFFFB000;
	s6 =	sadd.s32 @!p1 s21, s12  }
0x6e: {  	[hbm4b:s6+s1] =	stream.linear.scatter @!p1 [tilespmem:s23], [sflag:$0x4], $0x5000, $0x38;
	[tilespmem:$0x1DA80] =	vst v63  }
0x6f: {  	_ =	swait.ge @!p1 [sflag:s3], $0x5000  }
0x70: {  	[sflag:s3] =	ssyncset.done @!p1 $0x0  }
0x71: {  	s6 =	simm.s32 @!p1 $0x3;
	[sflag:s3] =	ssyncadd.s32 @!p1 $0xFFFFB000;
	s3 =	sadd.s32 @!p1 s21, s13  }
0x72: {  	[hbm4b:s3+s1] =	stream.linear.scatter @!p1 [tilespmem:s24], [sflag:$0x3], $0x5000, $0x38;
	[tilespmem:$0x1DA80] =	vst v63  }
0x73: {  	_ =	swait.ge @!p1 [sflag:s6], $0x5000  }
0x74: {  	s4 =	sadd.s32 $0x1, s4;
	s31 =	rddreg [dreg:$0x8]  }
0x75: {  	p2 =	sne.s32 s4, s31  }
.Ltmp1:
0x76: {  	_ = 	snop;
	(pc) =	sbr.rel @p2 .LBB2_1-.Ltmp1, $3  }
0x77: {  	_ =	sdelay $0x1  }
0x78: {  	[sflag:s6] =	ssyncset.done @!p1 $0x0  }
0x79: {  	[sflag:s6] =	ssyncadd.s32 @!p1 $0xFFFFB000  }
0x7a: {  	_ =	sfence.sel $0x180000  }
0x7b: {  	[bflag:$0x0] =	sbarrier.arrive $0xFFFF  }
0x7c: {  	_ =	strace $0x90000047  }
0x7d: {  	s0 =	stileid.u32;
	[bflag:$0x2] =	sbarrier.arrive $0xFFFF  }
0x7e: {  	p0 =	sne.s32 s0, $0x0;
	s0 =	rddreg [dreg:$0x7]  }
0x7f: {  	s0 =	sadd.s32 @!p0 $0x100000, s0  }
0x80: {  	[sflag:s0] =	ssyncadd.tile.s32 @!p0 $0x1;
	_ =	shalt  }
.Lfunc_end2:
_tile_overlayer_lowered:
.L_overlay_start_2:
0x81: {  	(tag) =	ssettag $0x2  }
0x82: {  	s0 =	rddreg [dreg:$0x0];
	s2 =	stileid.u32  }
0x83: {  	s1 =	rddreg [dreg:$0x1];
	p0 =	sne.s32 s2, $0x0  }
0x84: {  	s3 =	rddreg [dreg:$0x2];
	[bflag:$0x3] =	sbarrier.arrive $0xFFFF;
	s2 =	simm.s32 @!p0 $0x1C03  }
0x85: {  	[timem:s3], [sflag:s2] =	dma.local @!p0 [hbm:s0], s1  }
0x86: {  	s0 =	simm.s32 @!p0 $0x3  }
0x87: {  	_ =	swait.ge @!p0 [sflag:s0], s1  }
0x88: {  	s1 =	ssub.s32 @!p0 $0x0, s1;
	[sflag:s0] =	ssyncset.done @!p0 $0x0  }
0x89: {  	[sflag:s0] =	ssyncadd.s32 @!p0 s1  }
0x8a: {  	[bflag:$0x3] =	sbarrier.arrive $0xFFFF  }
0x8b: {  	_ =	shalt  }

</sc_bundles>
